<compile_context>
chip_gen: v7x
topology: tpu7x:2x2x1
jax: 0.10.2.dev20260603
libtpu: 0.0.44.dev20260713+nightly
codegen_flags: <defaults>
</compile_context>

<pallas_src>
import functools

import numpy as np
import jax
import jax.numpy as jnp
from jax.experimental import pallas as pl
from jax.experimental.pallas import tpu as pltpu

_B, _C, _L = 256, 20, 4096

_KS0 = 1832780943
_KS1 = 270669613

_ROTS = ((13, 15, 26, 6), (17, 29, 16, 24))


def _threefry2x32(x0, x1):
    ks = (
        jnp.uint32(_KS0),
        jnp.uint32(_KS1),
        jnp.uint32(_KS0 ^ _KS1 ^ 0x1BD11BDA),
    )
    x0 = x0 + ks[0]
    x1 = x1 + ks[1]
    for i in range(5):
        for r in _ROTS[i % 2]:
            x0 = x0 + x1
            x1 = (x1 << jnp.uint32(r)) | (x1 >> jnp.uint32(32 - r))
            x1 = x1 ^ x0
        x0 = x0 + ks[(i + 1) % 3]
        x1 = x1 + ks[(i + 2) % 3] + jnp.uint32(i + 1)
    return x0, x1


def _onehot_first_max(v, c_iota, C):
    m = jnp.max(v, axis=0, keepdims=True)
    first = jnp.min(jnp.where(v == m, c_iota, jnp.int32(C)), axis=0, keepdims=True)
    return (c_iota == first).astype(jnp.float32)


def _sample_kernel(logits_ref, out_ref, *, C, L, LB, R):
    i = pl.program_id(0)
    j = pl.program_id(1)
    nrow = R // C
    base = i * (nrow * L * C) + j * (LB * C)
    r_iota = jax.lax.broadcasted_iota(jnp.int32, (R, LB), 0)
    l_iota = jax.lax.broadcasted_iota(jnp.int32, (R, LB), 1)
    row_off = (r_iota // C) * jnp.int32(L * C - C)
    flat = base + l_iota * jnp.int32(C) + r_iota + row_off
    x1 = flat.astype(jnp.uint32)
    o0, o1 = _threefry2x32(jnp.zeros_like(x1), x1)
    bits = o0 ^ o1
    flt = jax.lax.bitcast_convert_type(
        (bits >> jnp.uint32(9)) | jnp.uint32(0x3F800000), jnp.float32
    ) - jnp.float32(1.0)
    tiny = jnp.float32(np.finfo(np.float32).tiny)
    u = jnp.maximum(tiny, flt + tiny)
    g = -jnp.log(-jnp.log(u))
    v = logits_ref[...] + g
    c_iota = jax.lax.broadcasted_iota(jnp.int32, (C, LB), 0)
    parts = [
        _onehot_first_max(v[k * C : (k + 1) * C, :], c_iota, C)
        for k in range(nrow)
    ]
    out_ref[...] = jnp.concatenate(parts, axis=0)


def _build(B, C, L, LB, R, interpret=False):
    grid = (B * C // R, L // LB)
    return pl.pallas_call(
        functools.partial(_sample_kernel, C=C, L=L, LB=LB, R=R),
        grid=grid,
        in_specs=[pl.BlockSpec((R, LB), lambda i, j: (i, j))],
        out_specs=pl.BlockSpec((R, LB), lambda i, j: (i, j)),
        out_shape=jax.ShapeDtypeStruct((B * C, L), jnp.float32),
        compiler_params=pltpu.CompilerParams(
            dimension_semantics=("parallel", "parallel")
        ),
        interpret=interpret,
    )


def kernel(logits):
    flat = logits.reshape(_B * _C, _L)
    out = _build(_B, _C, _L, _L, 2 * _C)(flat)
    return out.reshape(_B, _C, _L)

# --- scband reference (transcript-rebuilt; emitter-appended) ---
"""Pipeline reference for scband-differentiable-categorical-16819091931192 (READ-ONLY COPY).

The authoritative reference and input builder live on the scoring server;
editing this copy changes nothing except your own understanding.
"""

import jax, jax.numpy as jnp
import numpy as np

B, C, L = 256, 20, 4096
TAU = 0.1


def setup_inputs(seed: int = 0) -> dict:
    key = jax.random.key(seed)
    k1, k2 = jax.random.split(key)
    # seed_sequence: one-hot [B, C, L] used only to init the logits parameter
    seed_idx = jax.random.randint(k1, (B, L), 0, C)
    seed_onehot = jnp.transpose(jax.nn.one_hot(seed_idx, C, dtype=jnp.float32), (0, 2, 1))  # [B, C, L]
    # init_logits: where(onehot == 1, 5.0, 0.1)
    logits = jnp.where(seed_onehot == 1.0, 5.0, 0.1).astype(jnp.float32)
    return {"logits": logits}


def reference(logits):
    # normalize_method=None -> Identity
    # grad_method='gumbel_softmax' -> gumbel_softmax_straight_through_sample(logits, tau=0.1)
    key = jax.random.key(42)
    ks, kg = jax.random.split(key)
    # logits.permute(0,2,1) -> [B, L, C]; Categorical over last dim; sample [B, L]
    lp = jnp.transpose(logits, (0, 2, 1))
    sample = jax.random.categorical(ks, lp, axis=-1)  # int [B, L]
    # to_onehot: one_hot -> [B, L, C] -> permute(0,2,1) -> [B, C, L]
    onehot_sample = jnp.transpose(jax.nn.one_hot(sample, C, dtype=jnp.float32), (0, 2, 1))
    # F.gumbel_softmax(logits, tau=TAU, hard=False, dim=2) on [B, C, L] (dim=2 faithful to source)
    u = jax.random.uniform(kg, logits.shape, minval=1e-10, maxval=1.0)
    g = -jnp.log(-jnp.log(u))
    soft = jax.nn.softmax((logits + g) / TAU, axis=2)
    # ForwardBackwardWrapper: forward returns onehot_sample, backward flows through soft
    out = soft + jax.lax.stop_gradient(onehot_sample - soft)
    return out

if __name__ == "__main__":
    import jax
    _d = setup_inputs()
    print(jax.jit(kernel)(*tuple(_d.values())))

</pallas_src>

<mosaic_0001>
module attributes {stable_mosaic.version = 14 : i64} {
  func.func @_sample_kernel(%arg0: i32, %arg1: i32, %arg2: memref<40x4096xf32, #tpu.memory_space<vmem>>, %arg3: memref<40x4096xf32, #tpu.memory_space<vmem>>) attributes {dimension_semantics = [#tpu.dimension_semantics<parallel>, #tpu.dimension_semantics<parallel>], iteration_bounds = array<i64: 128, 1>, scalar_prefetch = 0 : i64, scratch_operands = 0 : i64, tpu.core_type = #tpu.core_type<tc>, window_params = [{transform_indices = @transform_0, window_bounds = array<i64: 40, 4096>}, {transform_indices = @transform_1, window_bounds = array<i64: 40, 4096>}]} {
    %mul3A = arith.constant 163840 : i32
    %mul3A_0 = arith.muli %arg0, %mul3A : i32
    %mul3A_1 = arith.constant 81920 : i32
    %mul3A_2 = arith.muli %arg1, %mul3A_1 : i32
    %add3A = arith.addi %mul3A_0, %mul3A_2 : i32
    %iota3A = tpu.iota {dimensions = array<i32: 0>} : vector<40x4096xi32>
    %iota3A_3 = tpu.iota {dimensions = array<i32: 1>} : vector<40x4096xi32>
    %jit3A = arith.constant 20 : i32
    %div3A = vector.broadcast %jit3A : i32 to vector<40x4096xi32>
    %div3A_4 = arith.divsi %iota3A, %div3A : vector<40x4096xi32>
    %sign3A = arith.constant 0 : i32
    %sign3A_5 = vector.broadcast %sign3A : i32 to vector<40x4096xi32>
    %sign3A_6 = arith.cmpi sgt, %iota3A, %sign3A_5 : vector<40x4096xi32>
    %sign3A_7 = arith.extui %sign3A_6 : vector<40x4096xi1> to vector<40x4096xi32>
    %sign3A_8 = arith.constant 0 : i32
    %sign3A_9 = vector.broadcast %sign3A_8 : i32 to vector<40x4096xi32>
    %sign3A_10 = arith.cmpi slt, %iota3A, %sign3A_9 : vector<40x4096xi32>
    %sign3A_11 = arith.extui %sign3A_10 : vector<40x4096xi1> to vector<40x4096xi32>
    %sign3A_12 = arith.subi %sign3A_7, %sign3A_11 : vector<40x4096xi32>
    %sign3A_13 = arith.constant 0 : i32
    %sign3A_14 = arith.cmpi sgt, %jit3A, %sign3A_13 : i32
    %sign3A_15 = arith.extui %sign3A_14 : i1 to i32
    %sign3A_16 = arith.constant 0 : i32
    %sign3A_17 = arith.cmpi slt, %jit3A, %sign3A_16 : i32
    %sign3A_18 = arith.extui %sign3A_17 : i1 to i32
    %sign3A_19 = arith.subi %sign3A_15, %sign3A_18 : i32
    %ne3A = vector.broadcast %sign3A_19 : i32 to vector<40x4096xi32>
    %ne3A_20 = arith.cmpi ne, %sign3A_12, %ne3A : vector<40x4096xi32>
    %rem3A = vector.broadcast %jit3A : i32 to vector<40x4096xi32>
    %rem3A_21 = arith.remsi %iota3A, %rem3A : vector<40x4096xi32>
    %ne3A_22 = arith.constant 0 : i32
    %ne3A_23 = vector.broadcast %ne3A_22 : i32 to vector<40x4096xi32>
    %ne3A_24 = arith.cmpi ne, %rem3A_21, %ne3A_23 : vector<40x4096xi32>
    %and3A = arith.andi %ne3A_20, %ne3A_24 : vector<40x4096xi1>
    %sub3A = arith.constant 1 : i32
    %sub3A_25 = vector.broadcast %sub3A : i32 to vector<40x4096xi32>
    %sub3A_26 = arith.subi %div3A_4, %sub3A_25 : vector<40x4096xi32>
    %select_n3A = arith.select %and3A, %sub3A_26, %div3A_4 : vector<40x4096xi1>, vector<40x4096xi32>
    %mul3A_27 = arith.constant 81900 : i32
    %mul3A_28 = vector.broadcast %mul3A_27 : i32 to vector<40x4096xi32>
    %mul3A_29 = arith.muli %select_n3A, %mul3A_28 : vector<40x4096xi32>
    %mul3A_30 = arith.constant 20 : i32
    %mul3A_31 = vector.broadcast %mul3A_30 : i32 to vector<40x4096xi32>
    %mul3A_32 = arith.muli %iota3A_3, %mul3A_31 : vector<40x4096xi32>
    %add3A_33 = vector.broadcast %add3A : i32 to vector<40x4096xi32>
    %add3A_34 = arith.addi %add3A_33, %mul3A_32 : vector<40x4096xi32>
    %add3A_35 = arith.addi %add3A_34, %iota3A : vector<40x4096xi32>
    %add3A_36 = arith.addi %add3A_35, %mul3A_29 : vector<40x4096xi32>
    %broadcast_in_dim3A = arith.constant 0 : i32
    %broadcast_in_dim3A_37 = vector.broadcast %broadcast_in_dim3A : i32 to vector<40x4096xi32>
    %add3A_38 = arith.constant 1832780943 : i32
    %add3A_39 = vector.broadcast %add3A_38 : i32 to vector<40x4096xi32>
    %add3A_40 = arith.addi %broadcast_in_dim3A_37, %add3A_39 : vector<40x4096xi32>
    %add3A_41 = arith.constant 270669613 : i32
    %add3A_42 = vector.broadcast %add3A_41 : i32 to vector<40x4096xi32>
    %add3A_43 = arith.addi %add3A_36, %add3A_42 : vector<40x4096xi32>
    %add3A_44 = arith.addi %add3A_40, %add3A_43 : vector<40x4096xi32>
    %shift_left3A = arith.constant 13 : i32
    %shift_left3A_45 = vector.broadcast %shift_left3A : i32 to vector<40x4096xi32>
    %shift_left3A_46 = arith.shli %add3A_43, %shift_left3A_45 : vector<40x4096xi32>
    %shift_right_logical3A = arith.constant 19 : i32
    %shift_right_logical3A_47 = vector.broadcast %shift_right_logical3A : i32 to vector<40x4096xi32>
    %shift_right_logical3A_48 = arith.shrui %add3A_43, %shift_right_logical3A_47 : vector<40x4096xi32>
    %or3A = arith.ori %shift_left3A_46, %shift_right_logical3A_48 : vector<40x4096xi32>
    %xor3A = arith.xori %or3A, %add3A_44 : vector<40x4096xi32>
    %add3A_49 = arith.addi %add3A_44, %xor3A : vector<40x4096xi32>
    %shift_left3A_50 = arith.constant 15 : i32
    %shift_left3A_51 = vector.broadcast %shift_left3A_50 : i32 to vector<40x4096xi32>
    %shift_left3A_52 = arith.shli %xor3A, %shift_left3A_51 : vector<40x4096xi32>
    %shift_right_logical3A_53 = arith.constant 17 : i32
    %shift_right_logical3A_54 = vector.broadcast %shift_right_logical3A_53 : i32 to vector<40x4096xi32>
    %shift_right_logical3A_55 = arith.shrui %xor3A, %shift_right_logical3A_54 : vector<40x4096xi32>
    %or3A_56 = arith.ori %shift_left3A_52, %shift_right_logical3A_55 : vector<40x4096xi32>
    %xor3A_57 = arith.xori %or3A_56, %add3A_49 : vector<40x4096xi32>
    %add3A_58 = arith.addi %add3A_49, %xor3A_57 : vector<40x4096xi32>
    %shift_left3A_59 = arith.constant 26 : i32
    %shift_left3A_60 = vector.broadcast %shift_left3A_59 : i32 to vector<40x4096xi32>
    %shift_left3A_61 = arith.shli %xor3A_57, %shift_left3A_60 : vector<40x4096xi32>
    %shift_right_logical3A_62 = arith.constant 6 : i32
    %shift_right_logical3A_63 = vector.broadcast %shift_right_logical3A_62 : i32 to vector<40x4096xi32>
    %shift_right_logical3A_64 = arith.shrui %xor3A_57, %shift_right_logical3A_63 : vector<40x4096xi32>
    %or3A_65 = arith.ori %shift_left3A_61, %shift_right_logical3A_64 : vector<40x4096xi32>
    %xor3A_66 = arith.xori %or3A_65, %add3A_58 : vector<40x4096xi32>
    %add3A_67 = arith.addi %add3A_58, %xor3A_66 : vector<40x4096xi32>
    %shift_left3A_68 = arith.constant 6 : i32
    %shift_left3A_69 = vector.broadcast %shift_left3A_68 : i32 to vector<40x4096xi32>
    %shift_left3A_70 = arith.shli %xor3A_66, %shift_left3A_69 : vector<40x4096xi32>
    %shift_right_logical3A_71 = arith.constant 26 : i32
    %shift_right_logical3A_72 = vector.broadcast %shift_right_logical3A_71 : i32 to vector<40x4096xi32>
    %shift_right_logical3A_73 = arith.shrui %xor3A_66, %shift_right_logical3A_72 : vector<40x4096xi32>
    %or3A_74 = arith.ori %shift_left3A_70, %shift_right_logical3A_73 : vector<40x4096xi32>
    %xor3A_75 = arith.xori %or3A_74, %add3A_67 : vector<40x4096xi32>
    %add3A_76 = arith.constant 270669613 : i32
    %add3A_77 = vector.broadcast %add3A_76 : i32 to vector<40x4096xi32>
    %add3A_78 = arith.addi %add3A_67, %add3A_77 : vector<40x4096xi32>
    %add3A_79 = arith.constant 1724713080 : i32
    %add3A_80 = vector.broadcast %add3A_79 : i32 to vector<40x4096xi32>
    %add3A_81 = arith.addi %xor3A_75, %add3A_80 : vector<40x4096xi32>
    %add3A_82 = arith.constant 1 : i32
    %add3A_83 = vector.broadcast %add3A_82 : i32 to vector<40x4096xi32>
    %add3A_84 = arith.addi %add3A_81, %add3A_83 : vector<40x4096xi32>
    %add3A_85 = arith.addi %add3A_78, %add3A_84 : vector<40x4096xi32>
    %shift_left3A_86 = arith.constant 17 : i32
    %shift_left3A_87 = vector.broadcast %shift_left3A_86 : i32 to vector<40x4096xi32>
    %shift_left3A_88 = arith.shli %add3A_84, %shift_left3A_87 : vector<40x4096xi32>
    %shift_right_logical3A_89 = arith.constant 15 : i32
    %shift_right_logical3A_90 = vector.broadcast %shift_right_logical3A_89 : i32 to vector<40x4096xi32>
    %shift_right_logical3A_91 = arith.shrui %add3A_84, %shift_right_logical3A_90 : vector<40x4096xi32>
    %or3A_92 = arith.ori %shift_left3A_88, %shift_right_logical3A_91 : vector<40x4096xi32>
    %xor3A_93 = arith.xori %or3A_92, %add3A_85 : vector<40x4096xi32>
    %add3A_94 = arith.addi %add3A_85, %xor3A_93 : vector<40x4096xi32>
    %shift_left3A_95 = arith.constant 29 : i32
    %shift_left3A_96 = vector.broadcast %shift_left3A_95 : i32 to vector<40x4096xi32>
    %shift_left3A_97 = arith.shli %xor3A_93, %shift_left3A_96 : vector<40x4096xi32>
    %shift_right_logical3A_98 = arith.constant 3 : i32
    %shift_right_logical3A_99 = vector.broadcast %shift_right_logical3A_98 : i32 to vector<40x4096xi32>
    %shift_right_logical3A_100 = arith.shrui %xor3A_93, %shift_right_logical3A_99 : vector<40x4096xi32>
    %or3A_101 = arith.ori %shift_left3A_97, %shift_right_logical3A_100 : vector<40x4096xi32>
    %xor3A_102 = arith.xori %or3A_101, %add3A_94 : vector<40x4096xi32>
    %add3A_103 = arith.addi %add3A_94, %xor3A_102 : vector<40x4096xi32>
    %shift_left3A_104 = arith.constant 16 : i32
    %shift_left3A_105 = vector.broadcast %shift_left3A_104 : i32 to vector<40x4096xi32>
    %shift_left3A_106 = arith.shli %xor3A_102, %shift_left3A_105 : vector<40x4096xi32>
    %shift_right_logical3A_107 = arith.constant 16 : i32
    %shift_right_logical3A_108 = vector.broadcast %shift_right_logical3A_107 : i32 to vector<40x4096xi32>
    %shift_right_logical3A_109 = arith.shrui %xor3A_102, %shift_right_logical3A_108 : vector<40x4096xi32>
    %or3A_110 = arith.ori %shift_left3A_106, %shift_right_logical3A_109 : vector<40x4096xi32>
    %xor3A_111 = arith.xori %or3A_110, %add3A_103 : vector<40x4096xi32>
    %add3A_112 = arith.addi %add3A_103, %xor3A_111 : vector<40x4096xi32>
    %shift_left3A_113 = arith.constant 24 : i32
    %shift_left3A_114 = vector.broadcast %shift_left3A_113 : i32 to vector<40x4096xi32>
    %shift_left3A_115 = arith.shli %xor3A_111, %shift_left3A_114 : vector<40x4096xi32>
    %shift_right_logical3A_116 = arith.constant 8 : i32
    %shift_right_logical3A_117 = vector.broadcast %shift_right_logical3A_116 : i32 to vector<40x4096xi32>
    %shift_right_logical3A_118 = arith.shrui %xor3A_111, %shift_right_logical3A_117 : vector<40x4096xi32>
    %or3A_119 = arith.ori %shift_left3A_115, %shift_right_logical3A_118 : vector<40x4096xi32>
    %xor3A_120 = arith.xori %or3A_119, %add3A_112 : vector<40x4096xi32>
    %add3A_121 = arith.constant 1724713080 : i32
    %add3A_122 = vector.broadcast %add3A_121 : i32 to vector<40x4096xi32>
    %add3A_123 = arith.addi %add3A_112, %add3A_122 : vector<40x4096xi32>
    %add3A_124 = arith.constant 1832780943 : i32
    %add3A_125 = vector.broadcast %add3A_124 : i32 to vector<40x4096xi32>
    %add3A_126 = arith.addi %xor3A_120, %add3A_125 : vector<40x4096xi32>
    %add3A_127 = arith.constant 2 : i32
    %add3A_128 = vector.broadcast %add3A_127 : i32 to vector<40x4096xi32>
    %add3A_129 = arith.addi %add3A_126, %add3A_128 : vector<40x4096xi32>
    %add3A_130 = arith.addi %add3A_123, %add3A_129 : vector<40x4096xi32>
    %shift_left3A_131 = arith.constant 13 : i32
    %shift_left3A_132 = vector.broadcast %shift_left3A_131 : i32 to vector<40x4096xi32>
    %shift_left3A_133 = arith.shli %add3A_129, %shift_left3A_132 : vector<40x4096xi32>
    %shift_right_logical3A_134 = arith.constant 19 : i32
    %shift_right_logical3A_135 = vector.broadcast %shift_right_logical3A_134 : i32 to vector<40x4096xi32>
    %shift_right_logical3A_136 = arith.shrui %add3A_129, %shift_right_logical3A_135 : vector<40x4096xi32>
    %or3A_137 = arith.ori %shift_left3A_133, %shift_right_logical3A_136 : vector<40x4096xi32>
    %xor3A_138 = arith.xori %or3A_137, %add3A_130 : vector<40x4096xi32>
    %add3A_139 = arith.addi %add3A_130, %xor3A_138 : vector<40x4096xi32>
    %shift_left3A_140 = arith.constant 15 : i32
    %shift_left3A_141 = vector.broadcast %shift_left3A_140 : i32 to vector<40x4096xi32>
    %shift_left3A_142 = arith.shli %xor3A_138, %shift_left3A_141 : vector<40x4096xi32>
    %shift_right_logical3A_143 = arith.constant 17 : i32
    %shift_right_logical3A_144 = vector.broadcast %shift_right_logical3A_143 : i32 to vector<40x4096xi32>
    %shift_right_logical3A_145 = arith.shrui %xor3A_138, %shift_right_logical3A_144 : vector<40x4096xi32>
    %or3A_146 = arith.ori %shift_left3A_142, %shift_right_logical3A_145 : vector<40x4096xi32>
    %xor3A_147 = arith.xori %or3A_146, %add3A_139 : vector<40x4096xi32>
    %add3A_148 = arith.addi %add3A_139, %xor3A_147 : vector<40x4096xi32>
    %shift_left3A_149 = arith.constant 26 : i32
    %shift_left3A_150 = vector.broadcast %shift_left3A_149 : i32 to vector<40x4096xi32>
    %shift_left3A_151 = arith.shli %xor3A_147, %shift_left3A_150 : vector<40x4096xi32>
    %shift_right_logical3A_152 = arith.constant 6 : i32
    %shift_right_logical3A_153 = vector.broadcast %shift_right_logical3A_152 : i32 to vector<40x4096xi32>
    %shift_right_logical3A_154 = arith.shrui %xor3A_147, %shift_right_logical3A_153 : vector<40x4096xi32>
    %or3A_155 = arith.ori %shift_left3A_151, %shift_right_logical3A_154 : vector<40x4096xi32>
    %xor3A_156 = arith.xori %or3A_155, %add3A_148 : vector<40x4096xi32>
    %add3A_157 = arith.addi %add3A_148, %xor3A_156 : vector<40x4096xi32>
    %shift_left3A_158 = arith.constant 6 : i32
    %shift_left3A_159 = vector.broadcast %shift_left3A_158 : i32 to vector<40x4096xi32>
    %shift_left3A_160 = arith.shli %xor3A_156, %shift_left3A_159 : vector<40x4096xi32>
    %shift_right_logical3A_161 = arith.constant 26 : i32
    %shift_right_logical3A_162 = vector.broadcast %shift_right_logical3A_161 : i32 to vector<40x4096xi32>
    %shift_right_logical3A_163 = arith.shrui %xor3A_156, %shift_right_logical3A_162 : vector<40x4096xi32>
    %or3A_164 = arith.ori %shift_left3A_160, %shift_right_logical3A_163 : vector<40x4096xi32>
    %xor3A_165 = arith.xori %or3A_164, %add3A_157 : vector<40x4096xi32>
    %add3A_166 = arith.constant 1832780943 : i32
    %add3A_167 = vector.broadcast %add3A_166 : i32 to vector<40x4096xi32>
    %add3A_168 = arith.addi %add3A_157, %add3A_167 : vector<40x4096xi32>
    %add3A_169 = arith.constant 270669613 : i32
    %add3A_170 = vector.broadcast %add3A_169 : i32 to vector<40x4096xi32>
    %add3A_171 = arith.addi %xor3A_165, %add3A_170 : vector<40x4096xi32>
    %add3A_172 = arith.constant 3 : i32
    %add3A_173 = vector.broadcast %add3A_172 : i32 to vector<40x4096xi32>
    %add3A_174 = arith.addi %add3A_171, %add3A_173 : vector<40x4096xi32>
    %add3A_175 = arith.addi %add3A_168, %add3A_174 : vector<40x4096xi32>
    %shift_left3A_176 = arith.constant 17 : i32
    %shift_left3A_177 = vector.broadcast %shift_left3A_176 : i32 to vector<40x4096xi32>
    %shift_left3A_178 = arith.shli %add3A_174, %shift_left3A_177 : vector<40x4096xi32>
    %shift_right_logical3A_179 = arith.constant 15 : i32
    %shift_right_logical3A_180 = vector.broadcast %shift_right_logical3A_179 : i32 to vector<40x4096xi32>
    %shift_right_logical3A_181 = arith.shrui %add3A_174, %shift_right_logical3A_180 : vector<40x4096xi32>
    %or3A_182 = arith.ori %shift_left3A_178, %shift_right_logical3A_181 : vector<40x4096xi32>
    %xor3A_183 = arith.xori %or3A_182, %add3A_175 : vector<40x4096xi32>
    %add3A_184 = arith.addi %add3A_175, %xor3A_183 : vector<40x4096xi32>
    %shift_left3A_185 = arith.constant 29 : i32
    %shift_left3A_186 = vector.broadcast %shift_left3A_185 : i32 to vector<40x4096xi32>
    %shift_left3A_187 = arith.shli %xor3A_183, %shift_left3A_186 : vector<40x4096xi32>
    %shift_right_logical3A_188 = arith.constant 3 : i32
    %shift_right_logical3A_189 = vector.broadcast %shift_right_logical3A_188 : i32 to vector<40x4096xi32>
    %shift_right_logical3A_190 = arith.shrui %xor3A_183, %shift_right_logical3A_189 : vector<40x4096xi32>
    %or3A_191 = arith.ori %shift_left3A_187, %shift_right_logical3A_190 : vector<40x4096xi32>
    %xor3A_192 = arith.xori %or3A_191, %add3A_184 : vector<40x4096xi32>
    %add3A_193 = arith.addi %add3A_184, %xor3A_192 : vector<40x4096xi32>
    %shift_left3A_194 = arith.constant 16 : i32
    %shift_left3A_195 = vector.broadcast %shift_left3A_194 : i32 to vector<40x4096xi32>
    %shift_left3A_196 = arith.shli %xor3A_192, %shift_left3A_195 : vector<40x4096xi32>
    %shift_right_logical3A_197 = arith.constant 16 : i32
    %shift_right_logical3A_198 = vector.broadcast %shift_right_logical3A_197 : i32 to vector<40x4096xi32>
    %shift_right_logical3A_199 = arith.shrui %xor3A_192, %shift_right_logical3A_198 : vector<40x4096xi32>
    %or3A_200 = arith.ori %shift_left3A_196, %shift_right_logical3A_199 : vector<40x4096xi32>
    %xor3A_201 = arith.xori %or3A_200, %add3A_193 : vector<40x4096xi32>
    %add3A_202 = arith.addi %add3A_193, %xor3A_201 : vector<40x4096xi32>
    %shift_left3A_203 = arith.constant 24 : i32
    %shift_left3A_204 = vector.broadcast %shift_left3A_203 : i32 to vector<40x4096xi32>
    %shift_left3A_205 = arith.shli %xor3A_201, %shift_left3A_204 : vector<40x4096xi32>
    %shift_right_logical3A_206 = arith.constant 8 : i32
    %shift_right_logical3A_207 = vector.broadcast %shift_right_logical3A_206 : i32 to vector<40x4096xi32>
    %shift_right_logical3A_208 = arith.shrui %xor3A_201, %shift_right_logical3A_207 : vector<40x4096xi32>
    %or3A_209 = arith.ori %shift_left3A_205, %shift_right_logical3A_208 : vector<40x4096xi32>
    %xor3A_210 = arith.xori %or3A_209, %add3A_202 : vector<40x4096xi32>
    %add3A_211 = arith.constant 270669613 : i32
    %add3A_212 = vector.broadcast %add3A_211 : i32 to vector<40x4096xi32>
    %add3A_213 = arith.addi %add3A_202, %add3A_212 : vector<40x4096xi32>
    %add3A_214 = arith.constant 1724713080 : i32
    %add3A_215 = vector.broadcast %add3A_214 : i32 to vector<40x4096xi32>
    %add3A_216 = arith.addi %xor3A_210, %add3A_215 : vector<40x4096xi32>
    %add3A_217 = arith.constant 4 : i32
    %add3A_218 = vector.broadcast %add3A_217 : i32 to vector<40x4096xi32>
    %add3A_219 = arith.addi %add3A_216, %add3A_218 : vector<40x4096xi32>
    %add3A_220 = arith.addi %add3A_213, %add3A_219 : vector<40x4096xi32>
    %shift_left3A_221 = arith.constant 13 : i32
    %shift_left3A_222 = vector.broadcast %shift_left3A_221 : i32 to vector<40x4096xi32>
    %shift_left3A_223 = arith.shli %add3A_219, %shift_left3A_222 : vector<40x4096xi32>
    %shift_right_logical3A_224 = arith.constant 19 : i32
    %shift_right_logical3A_225 = vector.broadcast %shift_right_logical3A_224 : i32 to vector<40x4096xi32>
    %shift_right_logical3A_226 = arith.shrui %add3A_219, %shift_right_logical3A_225 : vector<40x4096xi32>
    %or3A_227 = arith.ori %shift_left3A_223, %shift_right_logical3A_226 : vector<40x4096xi32>
    %xor3A_228 = arith.xori %or3A_227, %add3A_220 : vector<40x4096xi32>
    %add3A_229 = arith.addi %add3A_220, %xor3A_228 : vector<40x4096xi32>
    %shift_left3A_230 = arith.constant 15 : i32
    %shift_left3A_231 = vector.broadcast %shift_left3A_230 : i32 to vector<40x4096xi32>
    %shift_left3A_232 = arith.shli %xor3A_228, %shift_left3A_231 : vector<40x4096xi32>
    %shift_right_logical3A_233 = arith.constant 17 : i32
    %shift_right_logical3A_234 = vector.broadcast %shift_right_logical3A_233 : i32 to vector<40x4096xi32>
    %shift_right_logical3A_235 = arith.shrui %xor3A_228, %shift_right_logical3A_234 : vector<40x4096xi32>
    %or3A_236 = arith.ori %shift_left3A_232, %shift_right_logical3A_235 : vector<40x4096xi32>
    %xor3A_237 = arith.xori %or3A_236, %add3A_229 : vector<40x4096xi32>
    %add3A_238 = arith.addi %add3A_229, %xor3A_237 : vector<40x4096xi32>
    %shift_left3A_239 = arith.constant 26 : i32
    %shift_left3A_240 = vector.broadcast %shift_left3A_239 : i32 to vector<40x4096xi32>
    %shift_left3A_241 = arith.shli %xor3A_237, %shift_left3A_240 : vector<40x4096xi32>
    %shift_right_logical3A_242 = arith.constant 6 : i32
    %shift_right_logical3A_243 = vector.broadcast %shift_right_logical3A_242 : i32 to vector<40x4096xi32>
    %shift_right_logical3A_244 = arith.shrui %xor3A_237, %shift_right_logical3A_243 : vector<40x4096xi32>
    %or3A_245 = arith.ori %shift_left3A_241, %shift_right_logical3A_244 : vector<40x4096xi32>
    %xor3A_246 = arith.xori %or3A_245, %add3A_238 : vector<40x4096xi32>
    %add3A_247 = arith.addi %add3A_238, %xor3A_246 : vector<40x4096xi32>
    %shift_left3A_248 = arith.constant 6 : i32
    %shift_left3A_249 = vector.broadcast %shift_left3A_248 : i32 to vector<40x4096xi32>
    %shift_left3A_250 = arith.shli %xor3A_246, %shift_left3A_249 : vector<40x4096xi32>
    %shift_right_logical3A_251 = arith.constant 26 : i32
    %shift_right_logical3A_252 = vector.broadcast %shift_right_logical3A_251 : i32 to vector<40x4096xi32>
    %shift_right_logical3A_253 = arith.shrui %xor3A_246, %shift_right_logical3A_252 : vector<40x4096xi32>
    %or3A_254 = arith.ori %shift_left3A_250, %shift_right_logical3A_253 : vector<40x4096xi32>
    %xor3A_255 = arith.xori %or3A_254, %add3A_247 : vector<40x4096xi32>
    %add3A_256 = arith.constant 1724713080 : i32
    %add3A_257 = vector.broadcast %add3A_256 : i32 to vector<40x4096xi32>
    %add3A_258 = arith.addi %add3A_247, %add3A_257 : vector<40x4096xi32>
    %add3A_259 = arith.constant 1832780943 : i32
    %add3A_260 = vector.broadcast %add3A_259 : i32 to vector<40x4096xi32>
    %add3A_261 = arith.addi %xor3A_255, %add3A_260 : vector<40x4096xi32>
    %add3A_262 = arith.constant 5 : i32
    %add3A_263 = vector.broadcast %add3A_262 : i32 to vector<40x4096xi32>
    %add3A_264 = arith.addi %add3A_261, %add3A_263 : vector<40x4096xi32>
    %xor3A_265 = arith.xori %add3A_258, %add3A_264 : vector<40x4096xi32>
    %shift_right_logical3A_266 = arith.constant 9 : i32
    %shift_right_logical3A_267 = vector.broadcast %shift_right_logical3A_266 : i32 to vector<40x4096xi32>
    %shift_right_logical3A_268 = arith.shrui %xor3A_265, %shift_right_logical3A_267 : vector<40x4096xi32>
    %or3A_269 = arith.constant 1065353216 : i32
    %or3A_270 = vector.broadcast %or3A_269 : i32 to vector<40x4096xi32>
    %or3A_271 = arith.ori %shift_right_logical3A_268, %or3A_270 : vector<40x4096xi32>
    %bitcast_convert_type3A = tpu.bitcast %or3A_271 : vector<40x4096xi32> -> vector<40x4096xf32>
    %sub3A_272 = arith.constant 1.000000e+00 : f32
    %sub3A_273 = vector.broadcast %sub3A_272 : f32 to vector<40x4096xf32>
    %sub3A_274 = arith.subf %bitcast_convert_type3A, %sub3A_273 : vector<40x4096xf32>
    %add3A_275 = arith.constant 1.17549435E-38 : f32
    %add3A_276 = vector.broadcast %add3A_275 : f32 to vector<40x4096xf32>
    %add3A_277 = arith.addf %sub3A_274, %add3A_276 : vector<40x4096xf32>
    %max3A = arith.constant 1.17549435E-38 : f32
    %max3A_278 = vector.broadcast %max3A : f32 to vector<40x4096xf32>
    %max3A_279 = arith.maximumf %max3A_278, %add3A_277 : vector<40x4096xf32>
    %log3A = math.log %max3A_279 : vector<40x4096xf32>
    %neg3A = arith.constant 0.000000e+00 : f32
    %neg3A_280 = vector.broadcast %neg3A : f32 to vector<40x4096xf32>
    %neg3A_281 = arith.subf %neg3A_280, %log3A : vector<40x4096xf32>
    %log3A_282 = math.log %neg3A_281 : vector<40x4096xf32>
    %neg3A_283 = arith.constant 0.000000e+00 : f32
    %neg3A_284 = vector.broadcast %neg3A_283 : f32 to vector<40x4096xf32>
    %neg3A_285 = arith.subf %neg3A_284, %log3A_282 : vector<40x4096xf32>
    %get3A = arith.constant 0 : index
    %get3A_286 = arith.constant 0 : index
    %get3A_287 = vector.load %arg2[%get3A, %get3A_286] : memref<40x4096xf32, #tpu.memory_space<vmem>>, vector<40x4096xf32>
    %add3A_288 = arith.addf %get3A_287, %neg3A_285 : vector<40x4096xf32>
    %iota3A_289 = tpu.iota {dimensions = array<i32: 0>} : vector<20x4096xi32>
    %slice3A = vector.extract_strided_slice %add3A_288 {offsets = [0, 0], sizes = [20, 4096], strides = [1, 1]} : vector<40x4096xf32> to vector<20x4096xf32>
    %reduce_max3A = arith.constant dense<0xFF800000> : vector<4096xf32>
    %reduce_max3A_290 = vector.multi_reduction <maximumf>, %slice3A, %reduce_max3A [0] : vector<20x4096xf32> to vector<4096xf32>
    %broadcast_in_dim3A_291 = vector.shape_cast %reduce_max3A_290 : vector<4096xf32> to vector<1x4096xf32>
    %eq3A = vector.broadcast %broadcast_in_dim3A_291 : vector<1x4096xf32> to vector<20x4096xf32>
    %eq3A_292 = arith.cmpf oeq, %slice3A, %eq3A : vector<20x4096xf32>
    %jit3A_293 = arith.constant 20 : i32
    %broadcast_in_dim3A_294 = vector.broadcast %jit3A_293 : i32 to vector<20x4096xi32>
    %select_n3A_295 = arith.select %eq3A_292, %iota3A_289, %broadcast_in_dim3A_294 : vector<20x4096xi1>, vector<20x4096xi32>
    %reduce_min3A = arith.constant dense<2147483647> : vector<4096xi32>
    %reduce_min3A_296 = vector.multi_reduction <minsi>, %select_n3A_295, %reduce_min3A [0] : vector<20x4096xi32> to vector<4096xi32>
    %broadcast_in_dim3A_297 = vector.shape_cast %reduce_min3A_296 : vector<4096xi32> to vector<1x4096xi32>
    %eq3A_298 = vector.broadcast %broadcast_in_dim3A_297 : vector<1x4096xi32> to vector<20x4096xi32>
    %eq3A_299 = arith.cmpi eq, %iota3A_289, %eq3A_298 : vector<20x4096xi32>
    %convert_element_type3A = arith.extui %eq3A_299 : vector<20x4096xi1> to vector<20x4096xi32>
    %convert_element_type3A_300 = arith.sitofp %convert_element_type3A : vector<20x4096xi32> to vector<20x4096xf32>
    %slice3A_301 = vector.extract_strided_slice %add3A_288 {offsets = [20, 0], sizes = [20, 4096], strides = [1, 1]} : vector<40x4096xf32> to vector<20x4096xf32>
    %reduce_max3A_302 = arith.constant dense<0xFF800000> : vector<4096xf32>
    %reduce_max3A_303 = vector.multi_reduction <maximumf>, %slice3A_301, %reduce_max3A_302 [0] : vector<20x4096xf32> to vector<4096xf32>
    %broadcast_in_dim3A_304 = vector.shape_cast %reduce_max3A_303 : vector<4096xf32> to vector<1x4096xf32>
    %eq3A_305 = vector.broadcast %broadcast_in_dim3A_304 : vector<1x4096xf32> to vector<20x4096xf32>
    %eq3A_306 = arith.cmpf oeq, %slice3A_301, %eq3A_305 : vector<20x4096xf32>
    %jit3A_307 = arith.constant 20 : i32
    %broadcast_in_dim3A_308 = vector.broadcast %jit3A_307 : i32 to vector<20x4096xi32>
    %select_n3A_309 = arith.select %eq3A_306, %iota3A_289, %broadcast_in_dim3A_308 : vector<20x4096xi1>, vector<20x4096xi32>
    %reduce_min3A_310 = arith.constant dense<2147483647> : vector<4096xi32>
    %reduce_min3A_311 = vector.multi_reduction <minsi>, %select_n3A_309, %reduce_min3A_310 [0] : vector<20x4096xi32> to vector<4096xi32>
    %broadcast_in_dim3A_312 = vector.shape_cast %reduce_min3A_311 : vector<4096xi32> to vector<1x4096xi32>
    %eq3A_313 = vector.broadcast %broadcast_in_dim3A_312 : vector<1x4096xi32> to vector<20x4096xi32>
    %eq3A_314 = arith.cmpi eq, %iota3A_289, %eq3A_313 : vector<20x4096xi32>
    %convert_element_type3A_315 = arith.extui %eq3A_314 : vector<20x4096xi1> to vector<20x4096xi32>
    %convert_element_type3A_316 = arith.sitofp %convert_element_type3A_315 : vector<20x4096xi32> to vector<20x4096xf32>
    %concatenate3A = tpu.concatenate %convert_element_type3A_300, %convert_element_type3A_316 in 0 : vector<20x4096xf32>, vector<20x4096xf32> -> vector<40x4096xf32>
    %swap3A = arith.constant 0 : index
    %swap3A_317 = arith.constant 0 : index
    %swap3A_318 = vector.load %arg3[%swap3A, %swap3A_317] : memref<40x4096xf32, #tpu.memory_space<vmem>>, vector<40x4096xf32>
    tpu.vector_store %arg3[%swap3A, %swap3A_317], %concatenate3A {strides = array<i32>} : memref<40x4096xf32, #tpu.memory_space<vmem>>, vector<40x4096xf32>,
    return
  }
  func.func @transform_0(%arg0: i32, %arg1: i32) -> (i32, i32) {
    %c0_i32 = arith.constant 0 : i32
    return %arg0, %arg1 : i32, i32
  }
  func.func @transform_1(%arg0: i32, %arg1: i32) -> (i32, i32) {
    %c0_i32 = arith.constant 0 : i32
    return %arg0, %arg1 : i32, i32
  }
}

</mosaic_0001>

<sc_bundles>
// kernel: sparse-core-data-format-call.cloned.1.call-start
scs
called_computation_lowered:
.L_overlay_start_0:
0x0: {  	s2 =	sld [smem:$0x3FD9]  }
0x1: {  	s3 =	sld [smem:$0x3FFE];
	_ =	sdelay $0x1  }
0x2: {  	s1 =	srdreg.scid  }
0x3: {  	s0 =	sand.u32 $0x1, s1  }
0x4: {  	s18 =	sshll.u32 s0, $0xA;
	s2 =	sadd.s32 s3, s2  }
0x5: {  	s2 =	sadd.s32 s2, s18  }
0x6: {  	[smem:$0x3FC7] =	sst s2  }
0x7: {  	_ = 	snop  }
0x8: {  	s2 =	sld [smem:$0x3FD0];
	(tm) =	ssettm $0x1  }
0x9: {  	s19 =	sld [smem:$0x3FFB];
	_ =	sdelay $0x3  }
0xa: {  	_ =	strace s19  }
0xb: {  	s3 =	sld [smem:$0x3FFC];
	_ =	sdelay $0x3  }
0xc: {  	_ =	strace s3  }
0xd: {  	s3 =	sld [smem:$0x3FFD];
	_ =	sdelay $0x3  }
0xe: {  	_ =	strace s3  }
0xf: {  	_ =	strace $0x8FFFFFFF  }
0x10: {  	s20 =	sld [smem:$0x3FDB];
	_ =	sdelay $0x1  }
0x11: {  	s4 =	simm.s32 $_scs_section_size  }
0x12: {  	s5 =	simm.s32 $_size__tile_overlayer_lowered;
	s6 =	simm.s32 $_tile_overlayer_lowered  }
0x13: {  	s23 =	simm.s32 $0x1BFF;
	s22 =	sshll.u32 s6, $0x1;
	s3 =	sadd.s32 s4, s20  }
0x14: {  	s7 =	simm.s32 $0x0;
	s21 =	sshll.u32 s5, $0x1;
	s5 =	sadd.s32 s22, s3  }
0x15: {  	[timem:s7], [sflag:s23] =	dma.local [hbm:s5], s21  }
0x16: {  	_ =	swait.ge [sflag:s23], s21  }
0x17: {  	s4 =	ssub.s32 $0x0, s21;
	[sflag:s23] =	ssyncset.done $0x0  }
0x18: {  	[sflag:s23] =	ssyncadd.s32 s4;
	_ =	sdelay $0x1  }
0x19: {  	s24 =	simm.s32 $0x1B8B  }
0x1a: {  	_ =	swait.ge [sflag:s24], $0x1  }
0x1b: {  	[sflag:s24] =	ssyncset.done $0x0  }
0x1c: {  	s26 =	simm.s32 $0x1B8E;
	s25 =	sld [smem:$0x3FFE];
	[sflag:s24] =	ssyncadd.s32 $0xFFFFFFFF  }
0x1d: {  	s27 =	simm.s32 $execute0_lowered;
	[smem:$0x3FD2] =	sst s26  }
0x1e: {  	s5 =	sshll.u32 s27, $0x1;
	_ =	strace $0x80000046;
	[dreg:$0x1] =	wrdreg $0xFFFFFFFF  }
0x1f: {  	s28 =	simm.s32 $_size_execute0_lowered;
	s3 =	sadd.s32 s3, s5;
	[dreg:$0x0] =	wrdreg $0x0  }
0x20: {  	s5 =	sshll.u32 s28, $0x1;
	[dreg:$0x2] =	wrdreg s3  }
0x21: {  	[dreg:$0x3] =	wrdreg s5  }
0x22: {  	[dreg:$0x4] =	wrdreg $0xC0  }
0x23: {  	_ =	task [dreg:s7], $0x5FFFF  }
0x24: {  	[dreg:$0x1] =	wrdreg $0xFFFFFFFF  }
0x25: {  	[dreg:$0x0] =	wrdreg $0x60  }
0x26: {  	[dreg:$0x2] =	wrdreg s25  }
0x27: {  	[dreg:$0x3] =	wrdreg s2  }
0x28: {  	[dreg:$0x4] =	wrdreg $0x9  }
0x29: {  	_ =	task.clear_ibuf [dreg:s7], $0x5FFFF;
	_ =	strace $0x90000046  }
0x2a: {  	s29 =	simm.s32 $0x9;
	_ =	strace $0x80000048  }
0x2b: {  	_ =	swait.ge [sflag:s29], $0x1  }
0x2c: {  	[sflag:s29] =	ssyncadd.s32 $0xFFFFFFFF  }
0x2d: {  	_ =	strace $0x90000048  }
0x2e: {  	_ =	sfence  }
0x2f: {  	s30 =	sld [smem:$0x0];
	_ =	sdelay $0x2  }
0x30: {  	s31 =	sshll.u32 s1, $0xD;
	s1 =	sshrl.u32 s1, $0x2  }
0x31: {  	s3 =	sand.u32 $0x4000, s31;
	s1 =	sadd.s32 s1, s30  }
0x32: {  	s0 =	sor.u32 s3, s0;
	s1 =	sshll.u32 s1, $0x11  }
0x33: {  	s0 =	sor.u32 s1, s0  }
0x34: {  	s0 =	sadd.s32 $0x8F2B, s0  }
0x35: {  	[sflag:s0] =	ssyncadd.remote.s32 $0x1  }
0x36: {  	_ =	sfence.sel $0xFFFF  }
0x37: {  	[dreg:$0x0] =	wrdreg $0xFFFFFFFF;
	(pc) =	sbr.abs _section_cstart, $3  }
0x38: {  	[dreg:$0x1] =	wrdreg $0xFFFFFFFF  }
0x39: {  	_ =	task.clear_ibuf [dreg:s7], $0x2FFFF;
	_ =	strace $0x9FFFFFFF  }
0x3a: {  	(tm) =	ssettm $0x7FFFFFFF  }
0x3b: {  	_ =	shalt  }
tec
execute0_lowered:
.L_overlay_start_1:
0x0: {  	(tag) =	ssettag $0x1  }
0x1: {  	s0 =	stileid.u32;
	s1 =	srdreg.scid  }
0x2: {  	s2 =	sshll.u32 s0, $0x6;
	s1 =	sshll.u32 s1, $0xA  }
0x3: {  	s3 =	sshll.u32 s0, $0x7;
	s2 =	sor.u32 s2, s1  }
0x4: {  	s7 =	rddreg [dreg:$0x0];
	s1 =	sand.u32 $0x80, s3;
	s2 =	sand.u32 $0x780, s2  }
0x5: {  	s8 =	simm.s32 $0x2;
	s3 =	ssub.s32 $0x100, s1;
	s4 =	ssub.s32 $0x1000, s2  }
0x6: {  	s15 =	simm.s32 $0x0;
	s5 =	sshrl.u32 s3, $0x8;
	s6 =	sand.u32 $0x780, s4  }
0x7: {  	s3 =	sshrl.u32 s3, $0x7;
	p0 =	sne.s32 s6, $0x0;
	s6 =	simm.s32 $0x1  }
0x8: {  	s3 =	sand.u32 $0x1, s3;
	s4 =	sshrl.u32 s4, $0xB;
	s6 =	simm.s32 @!p0 $0x0  }
0x9: {  	s9 =	simm.s32 $0x8000;
	s3 =	sadd.s32 s5, s3;
	s31 =	sadd.s32 s6, s4  }
0xa: {  	s10 =	simm.s32 $0x0;
	s16 =	simm.s32 $0x0;
	s6 =	smul.u32 s31, s3  }
.Ltmp0:
0xb: {  	s17 =	simm.s32 $0x0;
	s12 =	simm.s32 $0x0;
	(pc) =	sbr.rel .LBB1_1-.Ltmp0, $4  }
0xc: {  	s14 =	simm.s32 $0x0;
	s5 =	simm.s32 $0x1;
	s4 =	rddreg [dreg:$0x1]  }
0xd: {  	s3 =	rddreg [dreg:$0x2];
	_ =	strace $0x80000047;
	s6 =	smul.u32 $0x14, s6  }
0xe: {  	s7 =	sadd.s32 $0x280400, s7;
	s13 =	smov.u32 s1;
	[sflag:s5] =	ssyncpa.u1 $0x0  }
0xf: {  	s11 =	smov.u32 s2;
	[sflag:s8] =	ssyncpa.u1 $0x0;
	s8 =	sor.u32 $0x1, s6  }
.LBB1_4:
0x10: {  	_ =	sdelay $0x3  }
0x11: {  	[tilespmem:v0+s20+$0xFFFFFFD0 ss:$0x1] =	vst.idx.msk $0xffff, v6  }
0x12: {  	v56 =	vld.idx.msk [tilespmem:v1+s19+$0x0 ss:$0x1], $0xffff;
	[tilespmem:v0+s20+$0xFFFFFFE0 ss:$0x1] =	vst.idx.msk $0xffff, v4  }
0x13: {  	v57 =	vld.idx.msk [tilespmem:v1+s19+$0xFFFFFF90 ss:$0x1], $0xffff;
	[tilespmem:v0+s20+$0xFFFFFFF0 ss:$0x1] =	vst.idx.msk $0xffff, v2  }
0x14: {  	v58 =	vld.idx.msk [tilespmem:v1+s19+$0xFFFFFFA0 ss:$0x1], $0xffff;
	[tilespmem:v0+s20+$0x0 ss:$0x1] =	vst.idx.msk $0xffff, v3  }
0x15: {  	v59 =	vld.idx.msk [tilespmem:v1+s19+$0xFFFFFFB0 ss:$0x1], $0xffff;
	[tilespmem:v0+s20+$0x10 ss:$0x1] =	vst.idx.msk $0xffff, v5  }
0x16: {  	v60 =	vld.idx.msk [tilespmem:v1+s19+$0xFFFFFFC0 ss:$0x1], $0xffff;
	[tilespmem:v0+s20+$0x20 ss:$0x1] =	vst.idx.msk $0xffff, v7  }
0x17: {  	v61 =	vld.idx.msk [tilespmem:v1+s19+$0xFFFFFFD0 ss:$0x1], $0xffff;
	[tilespmem:v0+s19+$0x30 ss:$0x1] =	vst.idx.msk $0xffff, v56  }
0x18: {  	v62 =	vld.idx.msk [tilespmem:v1+s19+$0xFFFFFFE0 ss:$0x1], $0xffff;
	s27 =	sand.u32 $0x78, s15;
	s21 =	sshll.u32 s17, $0xC;
	s28 =	sshll.u32 s17, $0x7;
	[tilespmem:v0+s19+$0xFFFFFFC0 ss:$0x1] =	vst.idx.msk $0xffff, v57  }
0x19: {  	v63 =	vld.idx.msk [tilespmem:v1+s19+$0xFFFFFFF0 ss:$0x1], $0xffff;
	s22 =	sshll.u32 s15, $0x3;
	s16 =	sshll.u32 s16, $0x11;
	s21 =	sand.u32 $0xF8000, s21;
	[tilespmem:v0+s19+$0xFFFFFFD0 ss:$0x1] =	vst.idx.msk $0xffff, v58  }
0x1a: {  	s31 =	sand.u32 $0x7, s15;
	s17 =	sand.u32 $0x380, s28;
	s29 =	sadd.s32 s21, s22;
	[tilespmem:v0+s19+$0xFFFFFFE0 ss:$0x1] =	vst.idx.msk $0xffff, v59  }
0x1b: {  	s30 =	sand.u32 $0xC00, s22;
	s17 =	sor.u32 s17, s27;
	s20 =	sshrl.u32 s29, $0x3;
	[tilespmem:v0+s19+$0xFFFFFFF0 ss:$0x1] =	vst.idx.msk $0xffff, v60  }
0x1c: {  	s16 =	sadd.s32 s4, s16;
	s17 =	sor.u32 s30, s17;
	s20 =	sand.u32 $0x1FE00, s20;
	[tilespmem:v0+s19+$0x0 ss:$0x1] =	vst.idx.msk $0xffff, v61  }
0x1d: {  	s15 =	sshll.u32 s31, $0x12;
	s17 =	sshrl.u32 s17, $0x3;
	[tilespmem:v0+s19+$0x10 ss:$0x1] =	vst.idx.msk $0xffff, v62;
	s16 =	sadd.s32 s20, s16  }
0x1e: {  	s15 =	sor.u32 $0x400, s15;
	[tilespmem:v0+s19+$0x20 ss:$0x1] =	vst.idx.msk $0xffff, v63;
	s16 =	sadd.s32 s17, s16  }
0x1f: {  	[hbm4b:s16+s15] =	stream.strided.scatter [tilespmem:s18], [sflag:$0x2], $0x4000, s9, s15, $0x38;
	[tilespmem:$0x10000] =	vst v63  }
.LBB1_5:
0x20: {  	s18 =	sadd.s32 $0x800, s11  }
0x21: {  	s15 =	simm.s32 $0x1;
	p1 =	sgt.s32 s18, $0xFFF  }
0x22: {  	s15 =	simm.s32 @!p1 $0x0  }
0x23: {  	s19 =	sadd.s32 s15, s12  }
0x24: {  	s21 =	smov.u32 s13;
	s15 =	sadd.s32 $0x100, s13;
	p2 =	sgt.s32 s19, $0x13  }
0x25: {  	s21 =	smov.u32 @p2 s15  }
0x26: {  	p0 =	slt.u32 s14, $0x2;
	s18 =	smov.u32 @p1 s2;
	p1 =	sgt.s32 s21, $0xFF  }
0x27: {  	s20 =	simm.s32 @!p0 $0x2;
	s21 =	smov.u32 @p1 s1;
	p1 =	sne.s32 s14, s8  }
.Ltmp1:
0x28: {  	_ =	swait.ge @!p0 [sflag:s20], $0x4000;
	(pc) =	sbr.rel @!p1 .LBB1_6-.Ltmp1, $4  }
0x29: {  	s16 =	smov.u32 s12;
	[sflag:s20] =	ssyncset.done @!p0 $0x0  }
0x2a: {  	s17 =	smov.u32 s13;
	s10 =	sadd.s32 $0x4000, s10;
	[sflag:s20] =	ssyncadd.s32 @!p0 $0xFFFFC000  }
0x2b: {  	s19 =	simm.s32 @p2 $0x0;
	s15 =	smov.u32 s11;
	s11 =	smov.u32 s18  }
0x2c: {  	s12 =	smov.u32 s19;
	s14 =	sadd.s32 $0x1, s14;
	s13 =	smov.u32 s21  }
.LBB1_1:
0x2d: {  	p0 =	sge.u32 s14, s6  }
0x2e: {  	s18 =	sshll.u32 @!p0 s12, $0xC  }
0x2f: {  	s19 =	sshll.u32 @!p0 s11, $0x3;
	s18 =	sand.u32 @!p0 $0xFFFF8000, s18  }
0x30: {  	s18 =	sadd.s32 @!p0 s18, s19  }
0x31: {  	s31 =	sadd.s32 $0xFFFFFFFF, s14;
	s22 =	sshll.u32 @!p0 s12, $0x7;
	s18 =	sshrl.u32 @!p0 s18, $0xC  }
0x32: {  	s23 =	sand.u32 @!p0 $0x78, s11;
	s22 =	sand.u32 @!p0 $0x380, s22;
	s21 =	smulhi.u32 @!p0 $0xAAAAAAB, s18  }
0x33: {  	s20 =	sxor.u32 @!p0 $0xFFFFFFFF, s14;
	s22 =	sor.u32 @!p0 s22, s23;
	s23 =	smul.u32 @!p0 $0x3000, s13  }
0x34: {  	s20 =	sshll.u32 @!p0 s20, $0xE;
	s19 =	sand.u32 @!p0 $0xC00, s19;
	s21 =	smul.u32 @!p0 $0x18, s21  }
0x35: {  	s20 =	sand.u32 @!p0 $0x4000, s20;
	s19 =	sor.u32 @!p0 s19, s22;
	s22 =	sand.u32 @!p0 $0x7, s11  }
0x36: {  	s19 =	sshrl.u32 @!p0 s19, $0x3;
	s18 =	ssub.s32 @!p0 s18, s21;
	s21 =	sadd.s32 @!p0 s7, s23  }
0x37: {  	s18 =	sshll.u32 @!p0 s18, $0x9;
	s19 =	sadd.s32 @!p0 s19, s21;
	s21 =	sshll.u32 @!p0 s22, $0x12  }
0x38: {  	s18 =	sadd.s32 @!p0 s18, s19;
	s19 =	sor.u32 @!p0 $0x80, s21;
	s21 =	simm.s32 @!p0 $0x18000  }
0x39: {  	[tilespmem:s20], [sflag:$0x1] =	stream.strided.gather @!p0 [hbm4b:s18+s19], $0x4000, s21, s19, $0x38;
	[tilespmem:$0x10000] =	vst v63  }
0x3a: {  	p0 =	sge.u32 s31, s6  }
.Ltmp2:
0x3b: {  	_ = 	snop;
	(pc) =	sbr.rel @p0 .LBB1_5-.Ltmp2, $1  }
0x3c: {  	_ =	sdelay $0x3  }
0x3d: {  	s18 =	sand.u32 $0x4000, s10  }
0x3e: {  	s19 =	sor.u32 $0x70, s18  }
0x3f: {  	v1 =	vmov s19;
	_ =	sdelay $0x1  }
0x40: {  	_ =	swait.ge [sflag:s5], $0x4000  }
0x41: {  	[sflag:s5] =	ssyncset.done $0x0  }
0x42: {  	s20 =	simm.s32 $0x0;
	[sflag:s5] =	ssyncadd.s32 $0xFFFFC000  }
0x43: {  	s18 =	sor.u32 $0x8040, s18;
	v7 =	vld.idx.msk [tilespmem:v1+s20+$0x0 ss:$0x1], $0xffff  }
0x44: {  	v0 =	vmov s18;
	v8 =	vld.idx.msk [tilespmem:v1+s20+$0xFFFFFF90 ss:$0x1], $0xffff  }
0x45: {  	v6 =	vld.idx.msk [tilespmem:v1+s20+$0xFFFFFFA0 ss:$0x1], $0xffff  }
0x46: {  	v4 =	vld.idx.msk [tilespmem:v1+s20+$0xFFFFFFB0 ss:$0x1], $0xffff  }
0x47: {  	v2 =	vld.idx.msk [tilespmem:v1+s20+$0xFFFFFFC0 ss:$0x1], $0xffff  }
0x48: {  	s31 =	sshll.u32 s14, $0xE;
	v3 =	vld.idx.msk [tilespmem:v1+s20+$0xFFFFFFD0 ss:$0x1], $0xffff  }
0x49: {  	s18 =	sand.u32 $0x4000, s31;
	v5 =	vld.idx.msk [tilespmem:v1+s20+$0xFFFFFFE0 ss:$0x1], $0xffff;
	[tilespmem:v0+s20+$0x30 ss:$0x1] =	vst.idx.msk $0xffff, v7  }
0x4a: {  	s21 =	simm.s32 $0x400;
	s19 =	simm.s32 $0x80;
	s18 =	sor.u32 $0x8000, s18;
	[tilespmem:v0+s20+$0xFFFFFFC0 ss:$0x1] =	vst.idx.msk $0xffff, v8;
	v7 =	vld.idx.msk [tilespmem:v1+s20+$0xFFFFFFF0 ss:$0x1], $0xffff  }
.LBB1_3:
0x4b: {  	p0 =	sne.s32 s21, $0xFE00;
	v8 =	vld.idx.msk [tilespmem:v1+s19+$0x0 ss:$0x1], $0xffff;
	[tilespmem:v0+s20+$0xFFFFFFD0 ss:$0x1] =	vst.idx.msk $0xffff, v6  }
0x4c: {  	v9 =	vld.idx.msk [tilespmem:v1+s19+$0xFFFFFF90 ss:$0x1], $0xffff;
	[tilespmem:v0+s20+$0xFFFFFFE0 ss:$0x1] =	vst.idx.msk $0xffff, v4  }
0x4d: {  	v6 =	vld.idx.msk [tilespmem:v1+s19+$0xFFFFFFA0 ss:$0x1], $0xffff;
	[tilespmem:v0+s20+$0xFFFFFFF0 ss:$0x1] =	vst.idx.msk $0xffff, v2  }
.Ltmp3:
0x4e: {  	v4 =	vld.idx.msk [tilespmem:v1+s19+$0xFFFFFFB0 ss:$0x1], $0xffff;
	[tilespmem:v0+s20+$0x0 ss:$0x1] =	vst.idx.msk $0xffff, v3;
	(pc) =	sbr.rel @p0 .LBB1_3-.Ltmp3, $4  }
0x4f: {  	v2 =	vld.idx.msk [tilespmem:v1+s19+$0xFFFFFFC0 ss:$0x1], $0xffff;
	[tilespmem:v0+s20+$0x10 ss:$0x1] =	vst.idx.msk $0xffff, v5  }
0x50: {  	v3 =	vld.idx.msk [tilespmem:v1+s19+$0xFFFFFFD0 ss:$0x1], $0xffff;
	[tilespmem:v0+s20+$0x20 ss:$0x1] =	vst.idx.msk $0xffff, v7;
	s20 =	smov.u32 s19  }
0x51: {  	v5 =	vld.idx.msk [tilespmem:v1+s20+$0xFFFFFFE0 ss:$0x1], $0xffff;
	[tilespmem:v0+s20+$0x30 ss:$0x1] =	vst.idx.msk $0xffff, v8  }
0x52: {  	s19 =	sshra.s32 s21, $0x2;
	s21 =	sadd.s32 $0x200, s21;
	[tilespmem:v0+s20+$0xFFFFFFC0 ss:$0x1] =	vst.idx.msk $0xffff, v9;
	v7 =	vld.idx.msk [tilespmem:v1+s20+$0xFFFFFFF0 ss:$0x1], $0xffff  }
.Ltmp4:
0x53: {  	_ = 	snop;
	(pc) =	sbr.rel .LBB1_4-.Ltmp4, $1  }
0x54: {  	_ =	sdelay $0x3  }
.LBB1_6:
0x55: {  	_ =	sfence.sel $0x180000  }
0x56: {  	s1 =	simm.s32 $0x1;
	[bflag:$0x0] =	sbarrier.arrive $0xFFFF  }
0x57: {  	s31 =	simm.s32 $0x2;
	[sflag:s1] =	ssyncpa.u1 $0x1  }
0x58: {  	[sflag:s31] =	ssyncpa.u1 $0x1  }
0x59: {  	p0 =	sne.s32 s0, $0x0;
	_ =	strace $0x90000047  }
0x5a: {  	s0 =	sadd.s32 @!p0 $0x100000, s3;
	[bflag:$0x2] =	sbarrier.arrive $0xFFFF  }
0x5b: {  	[sflag:s0] =	ssyncadd.tile.s32 @!p0 $0x1;
	_ =	shalt  }
.Lfunc_end1:
_tile_overlayer_lowered:
.L_overlay_start_2:
0x5c: {  	(tag) =	ssettag $0x2  }
0x5d: {  	s0 =	rddreg [dreg:$0x0];
	s2 =	stileid.u32  }
0x5e: {  	s1 =	rddreg [dreg:$0x1];
	p0 =	sne.s32 s2, $0x0  }
0x5f: {  	s3 =	rddreg [dreg:$0x2];
	[bflag:$0x3] =	sbarrier.arrive $0xFFFF;
	s2 =	simm.s32 @!p0 $0x1C01  }
0x60: {  	[timem:s3], [sflag:s2] =	dma.local @!p0 [hbm:s0], s1  }
0x61: {  	s0 =	simm.s32 @!p0 $0x1  }
0x62: {  	_ =	swait.ge @!p0 [sflag:s0], s1  }
0x63: {  	s1 =	ssub.s32 @!p0 $0x0, s1;
	[sflag:s0] =	ssyncset.done @!p0 $0x0  }
0x64: {  	[sflag:s0] =	ssyncadd.s32 @!p0 s1  }
0x65: {  	[bflag:$0x3] =	sbarrier.arrive $0xFFFF  }
0x66: {  	_ =	shalt  }

</sc_bundles>
